<compile_context>
chip_gen: v7x
topology: tpu7x:2x2x1
jax: 0.10.2.dev20260603
libtpu: 0.0.44.dev20260713+nightly
codegen_flags: <defaults>
</compile_context>

<pallas_src>
import functools

import jax
from jax import lax
from jax.experimental import pallas as pl
from jax.experimental.pallas import tpu as pltpu
from jax.experimental.pallas import tpu_sc as plsc

_BUF_ROWS = 40
_NBUF = 3


def kernel(x, pe):
    seq_len = x.shape[1]
    n_emb = pe.shape[1]
    info = plsc.get_sparse_core_info()
    nc, ns = info.num_cores, info.num_subcores
    nw = nc * ns
    rows_per_w = seq_len // nw

    sizes = []
    off = 0
    while off < rows_per_w:
        c = min(_BUF_ROWS, rows_per_w - off)
        sizes.append((off, c))
        off += c
    nchunk = len(sizes)

    @functools.partial(
        pl.kernel,
        mesh=plsc.VectorSubcoreMesh(core_axis_name="c", subcore_axis_name="s"),
        out_type=jax.ShapeDtypeStruct((seq_len, n_emb), pe.dtype),
        scratch_types=[
            pltpu.VMEM_SHARED((ns, _NBUF, _BUF_ROWS, n_emb), pe.dtype),
            pltpu.SemaphoreType.DMA((_NBUF,)),
            pltpu.SemaphoreType.DMA((_NBUF,)),
        ],
    )
    def copy_k(pe_hbm, out_hbm, buf, gsem, ssem):
        sid = lax.axis_index("s")
        wid = sid * nc + lax.axis_index("c")
        base = wid * rows_per_w

        def src(i):
            o, c = sizes[i]
            return pe_hbm.at[pl.ds(base + o, c)]

        def dst(i):
            o, c = sizes[i]
            return out_hbm.at[pl.ds(base + o, c)]

        def stage(i, b):
            return buf.at[sid, b, pl.ds(0, sizes[i][1])]

        g = [None] * nchunk
        s = [None] * nchunk
        for i in range(min(_NBUF, nchunk)):
            g[i] = pltpu.async_copy(src(i), stage(i, i), gsem.at[i])
        for i in range(nchunk):
            b = i % _NBUF
            g[i].wait()
            s[i] = pltpu.async_copy(stage(i, b), dst(i), ssem.at[b])
            nxt = i + 1
            if _NBUF <= nxt < nchunk:
                bn = nxt % _NBUF
                s[nxt - _NBUF].wait()
                g[nxt] = pltpu.async_copy(src(nxt), stage(nxt, bn), gsem.at[bn])
        for i in range(max(0, nchunk - _NBUF), nchunk):
            s[i].wait()

    return copy_k(pe)[None]

# --- scband reference (transcript-rebuilt; emitter-appended) ---
"""Pipeline reference for scband-positional-encoding-9380208574846 (READ-ONLY COPY).

The authoritative reference and input builder live on the scoring server;
editing this copy changes nothing except your own understanding.
"""

import jax, jax.numpy as jnp
import numpy as np

BLOCK_SIZE = 8192
N_EMBEDDING = 1024

def setup_inputs(seed: int = 0) -> dict:
    key = jax.random.key(seed)
    k1, k2 = jax.random.split(key)
    x = jax.random.normal(k1, (4, 8192, 1024), dtype=jnp.float32)
    # learned positional embedding table, matching torch.nn.Embedding(block_size, n_embedding)
    pe = jax.random.normal(k2, (BLOCK_SIZE, N_EMBEDDING), dtype=jnp.float32)
    return {"x": x, "pe": pe}

def reference(x, pe):
    seq_len = x.shape[1]
    positions = jnp.arange(seq_len)
    out = jnp.take(pe, positions, axis=0)  # [seq_len, n_embedding]
    return out[None, :, :]  # unsqueeze(0) -> [1, seq_len, n_embedding]

if __name__ == "__main__":
    import jax
    _d = setup_inputs()
    print(jax.jit(kernel)(*tuple(_d.values())))

</pallas_src>

<mosaic_0001>
#map = affine_map<(d0, d1) -> (0, 0)>
module attributes {stable_mosaic.version = 14 : i64} {
  func.func @copy_k(%arg0: i32, %arg1: i32, %arg2: memref<8192x1024xf32, #tpu.memory_space<hbm>>, %arg3: memref<8192x1024xf32, #tpu.memory_space<hbm>>, %arg4: memref<16x3x40x1024xf32, #tpu.memory_space<vmem_shared>>, %arg5: memref<3x!tpu.dma_semaphore, #tpu.memory_space<semaphore_mem>>, %arg6: memref<3x!tpu.dma_semaphore, #tpu.memory_space<semaphore_mem>>) attributes {dimension_semantics = [#tpu.dimension_semantics<core_parallel>, #tpu.dimension_semantics<subcore_parallel>], iteration_bounds = array<i64: 2, 16>, scalar_prefetch = 0 : i64, scratch_operands = 3 : i64, tpu.core_type = #tpu.core_type<sc_vector_subcore>, window_params = [{transform_indices = #map}, {transform_indices = #map}]} {
    %mul3A = arith.constant 2 : i32
    %mul3A_0 = arith.muli %arg1, %mul3A : i32
    %add3A = arith.addi %mul3A_0, %arg0 : i32
    %mul3A_1 = arith.constant 256 : i32
    %mul3A_2 = arith.muli %add3A, %mul3A_1 : i32
    %add3A_3 = arith.constant 0 : i32
    %add3A_4 = arith.addi %mul3A_2, %add3A_3 : i32
    %dma_start3A = arith.constant 0 : i32
    %dma_start3A_5 = arith.constant 0 : i32
    %dma_start3A_6 = tpu.memref_slice %arg5[%dma_start3A_5] : memref<3x!tpu.dma_semaphore, #tpu.memory_space<semaphore_mem>> -> memref<1x!tpu.dma_semaphore, #tpu.memory_space<semaphore_mem>>
    %dma_start3A_7 = tpu.memref_squeeze %dma_start3A_6 : memref<1x!tpu.dma_semaphore, #tpu.memory_space<semaphore_mem>> -> memref<!tpu.dma_semaphore, #tpu.memory_space<semaphore_mem>>
    %dma_start3A_8 = arith.constant 0 : i32
    %dma_start3A_9 = arith.constant 0 : i32
    %dma_start3A_10 = tpu.memref_slice %arg4[%arg1, %dma_start3A, %dma_start3A_8, %dma_start3A_9] : memref<16x3x40x1024xf32, #tpu.memory_space<vmem_shared>> -> memref<1x1x40x1024xf32, #tpu.memory_space<vmem_shared>>
    %dma_start3A_11 = tpu.memref_squeeze %dma_start3A_10 : memref<1x1x40x1024xf32, #tpu.memory_space<vmem_shared>> -> memref<40x1024xf32, #tpu.memory_space<vmem_shared>>
    %dma_start3A_12 = arith.constant 0 : i32
    %dma_start3A_13 = tpu.memref_slice %arg2[%add3A_4, %dma_start3A_12] : memref<8192x1024xf32, #tpu.memory_space<hbm>> -> memref<40x1024xf32, #tpu.memory_space<hbm>>
    tpu.enqueue_dma source(%dma_start3A_13 : memref<40x1024xf32, #tpu.memory_space<hbm>>) target(%dma_start3A_11 : memref<40x1024xf32, #tpu.memory_space<vmem_shared>>) target_semaphore(%dma_start3A_7 : memref<!tpu.dma_semaphore, #tpu.memory_space<semaphore_mem>>)
    %add3A_14 = arith.constant 40 : i32
    %add3A_15 = arith.addi %mul3A_2, %add3A_14 : i32
    %dma_start3A_16 = arith.constant 1 : i32
    %dma_start3A_17 = arith.constant 1 : i32
    %dma_start3A_18 = tpu.memref_slice %arg5[%dma_start3A_17] : memref<3x!tpu.dma_semaphore, #tpu.memory_space<semaphore_mem>> -> memref<1x!tpu.dma_semaphore, #tpu.memory_space<semaphore_mem>>
    %dma_start3A_19 = tpu.memref_squeeze %dma_start3A_18 : memref<1x!tpu.dma_semaphore, #tpu.memory_space<semaphore_mem>> -> memref<!tpu.dma_semaphore, #tpu.memory_space<semaphore_mem>>
    %dma_start3A_20 = arith.constant 0 : i32
    %dma_start3A_21 = arith.constant 0 : i32
    %dma_start3A_22 = tpu.memref_slice %arg4[%arg1, %dma_start3A_16, %dma_start3A_20, %dma_start3A_21] : memref<16x3x40x1024xf32, #tpu.memory_space<vmem_shared>> -> memref<1x1x40x1024xf32, #tpu.memory_space<vmem_shared>>
    %dma_start3A_23 = tpu.memref_squeeze %dma_start3A_22 : memref<1x1x40x1024xf32, #tpu.memory_space<vmem_shared>> -> memref<40x1024xf32, #tpu.memory_space<vmem_shared>>
    %dma_start3A_24 = arith.constant 0 : i32
    %dma_start3A_25 = tpu.memref_slice %arg2[%add3A_15, %dma_start3A_24] : memref<8192x1024xf32, #tpu.memory_space<hbm>> -> memref<40x1024xf32, #tpu.memory_space<hbm>>
    tpu.enqueue_dma source(%dma_start3A_25 : memref<40x1024xf32, #tpu.memory_space<hbm>>) target(%dma_start3A_23 : memref<40x1024xf32, #tpu.memory_space<vmem_shared>>) target_semaphore(%dma_start3A_19 : memref<!tpu.dma_semaphore, #tpu.memory_space<semaphore_mem>>)
    %add3A_26 = arith.constant 80 : i32
    %add3A_27 = arith.addi %mul3A_2, %add3A_26 : i32
    %dma_start3A_28 = arith.constant 2 : i32
    %dma_start3A_29 = arith.constant 2 : i32
    %dma_start3A_30 = tpu.memref_slice %arg5[%dma_start3A_29] : memref<3x!tpu.dma_semaphore, #tpu.memory_space<semaphore_mem>> -> memref<1x!tpu.dma_semaphore, #tpu.memory_space<semaphore_mem>>
    %dma_start3A_31 = tpu.memref_squeeze %dma_start3A_30 : memref<1x!tpu.dma_semaphore, #tpu.memory_space<semaphore_mem>> -> memref<!tpu.dma_semaphore, #tpu.memory_space<semaphore_mem>>
    %dma_start3A_32 = arith.constant 0 : i32
    %dma_start3A_33 = arith.constant 0 : i32
    %dma_start3A_34 = tpu.memref_slice %arg4[%arg1, %dma_start3A_28, %dma_start3A_32, %dma_start3A_33] : memref<16x3x40x1024xf32, #tpu.memory_space<vmem_shared>> -> memref<1x1x40x1024xf32, #tpu.memory_space<vmem_shared>>
    %dma_start3A_35 = tpu.memref_squeeze %dma_start3A_34 : memref<1x1x40x1024xf32, #tpu.memory_space<vmem_shared>> -> memref<40x1024xf32, #tpu.memory_space<vmem_shared>>
    %dma_start3A_36 = arith.constant 0 : i32
    %dma_start3A_37 = tpu.memref_slice %arg2[%add3A_27, %dma_start3A_36] : memref<8192x1024xf32, #tpu.memory_space<hbm>> -> memref<40x1024xf32, #tpu.memory_space<hbm>>
    tpu.enqueue_dma source(%dma_start3A_37 : memref<40x1024xf32, #tpu.memory_space<hbm>>) target(%dma_start3A_35 : memref<40x1024xf32, #tpu.memory_space<vmem_shared>>) target_semaphore(%dma_start3A_31 : memref<!tpu.dma_semaphore, #tpu.memory_space<semaphore_mem>>)
    %dma_wait3A = arith.constant 0 : i32
    %dma_wait3A_38 = arith.constant 0 : i32
    %dma_wait3A_39 = tpu.memref_slice %arg5[%dma_wait3A_38] : memref<3x!tpu.dma_semaphore, #tpu.memory_space<semaphore_mem>> -> memref<1x!tpu.dma_semaphore, #tpu.memory_space<semaphore_mem>>
    %dma_wait3A_40 = tpu.memref_squeeze %dma_wait3A_39 : memref<1x!tpu.dma_semaphore, #tpu.memory_space<semaphore_mem>> -> memref<!tpu.dma_semaphore, #tpu.memory_space<semaphore_mem>>
    %dma_wait3A_41 = arith.constant 0 : i32
    %dma_wait3A_42 = arith.constant 0 : i32
    %dma_wait3A_43 = tpu.memref_slice %arg4[%arg1, %dma_wait3A, %dma_wait3A_41, %dma_wait3A_42] : memref<16x3x40x1024xf32, #tpu.memory_space<vmem_shared>> -> memref<1x1x40x1024xf32, #tpu.memory_space<vmem_shared>>
    %dma_wait3A_44 = tpu.memref_squeeze %dma_wait3A_43 : memref<1x1x40x1024xf32, #tpu.memory_space<vmem_shared>> -> memref<40x1024xf32, #tpu.memory_space<vmem_shared>>
    %dma_wait3A_45 = arith.constant 0 : i32
    %dma_wait3A_46 = tpu.memref_slice %arg2[%add3A_4, %dma_wait3A_45] : memref<8192x1024xf32, #tpu.memory_space<hbm>> -> memref<40x1024xf32, #tpu.memory_space<hbm>>
    tpu.wait_dma2 semaphore(%dma_wait3A_40 : memref<!tpu.dma_semaphore, #tpu.memory_space<semaphore_mem>>) src(%dma_wait3A_46 : memref<40x1024xf32, #tpu.memory_space<hbm>>) dst(%dma_wait3A_44 : memref<40x1024xf32, #tpu.memory_space<vmem_shared>>)
    %add3A_47 = arith.constant 0 : i32
    %add3A_48 = arith.addi %mul3A_2, %add3A_47 : i32
    %dma_start3A_49 = arith.constant 0 : i32
    %dma_start3A_50 = arith.constant 0 : i32
    %dma_start3A_51 = tpu.memref_slice %arg6[%dma_start3A_50] : memref<3x!tpu.dma_semaphore, #tpu.memory_space<semaphore_mem>> -> memref<1x!tpu.dma_semaphore, #tpu.memory_space<semaphore_mem>>
    %dma_start3A_52 = tpu.memref_squeeze %dma_start3A_51 : memref<1x!tpu.dma_semaphore, #tpu.memory_space<semaphore_mem>> -> memref<!tpu.dma_semaphore, #tpu.memory_space<semaphore_mem>>
    %dma_start3A_53 = arith.constant 0 : i32
    %dma_start3A_54 = tpu.memref_slice %arg3[%add3A_48, %dma_start3A_53] : memref<8192x1024xf32, #tpu.memory_space<hbm>> -> memref<40x1024xf32, #tpu.memory_space<hbm>>
    %dma_start3A_55 = arith.constant 0 : i32
    %dma_start3A_56 = arith.constant 0 : i32
    %dma_start3A_57 = tpu.memref_slice %arg4[%arg1, %dma_start3A_49, %dma_start3A_55, %dma_start3A_56] : memref<16x3x40x1024xf32, #tpu.memory_space<vmem_shared>> -> memref<1x1x40x1024xf32, #tpu.memory_space<vmem_shared>>
    %dma_start3A_58 = tpu.memref_squeeze %dma_start3A_57 : memref<1x1x40x1024xf32, #tpu.memory_space<vmem_shared>> -> memref<40x1024xf32, #tpu.memory_space<vmem_shared>>
    tpu.enqueue_dma source(%dma_start3A_58 : memref<40x1024xf32, #tpu.memory_space<vmem_shared>>) target(%dma_start3A_54 : memref<40x1024xf32, #tpu.memory_space<hbm>>) target_semaphore(%dma_start3A_52 : memref<!tpu.dma_semaphore, #tpu.memory_space<semaphore_mem>>)
    %dma_wait3A_59 = arith.constant 1 : i32
    %dma_wait3A_60 = arith.constant 1 : i32
    %dma_wait3A_61 = tpu.memref_slice %arg5[%dma_wait3A_60] : memref<3x!tpu.dma_semaphore, #tpu.memory_space<semaphore_mem>> -> memref<1x!tpu.dma_semaphore, #tpu.memory_space<semaphore_mem>>
    %dma_wait3A_62 = tpu.memref_squeeze %dma_wait3A_61 : memref<1x!tpu.dma_semaphore, #tpu.memory_space<semaphore_mem>> -> memref<!tpu.dma_semaphore, #tpu.memory_space<semaphore_mem>>
    %dma_wait3A_63 = arith.constant 0 : i32
    %dma_wait3A_64 = arith.constant 0 : i32
    %dma_wait3A_65 = tpu.memref_slice %arg4[%arg1, %dma_wait3A_59, %dma_wait3A_63, %dma_wait3A_64] : memref<16x3x40x1024xf32, #tpu.memory_space<vmem_shared>> -> memref<1x1x40x1024xf32, #tpu.memory_space<vmem_shared>>
    %dma_wait3A_66 = tpu.memref_squeeze %dma_wait3A_65 : memref<1x1x40x1024xf32, #tpu.memory_space<vmem_shared>> -> memref<40x1024xf32, #tpu.memory_space<vmem_shared>>
    %dma_wait3A_67 = arith.constant 0 : i32
    %dma_wait3A_68 = tpu.memref_slice %arg2[%add3A_15, %dma_wait3A_67] : memref<8192x1024xf32, #tpu.memory_space<hbm>> -> memref<40x1024xf32, #tpu.memory_space<hbm>>
    tpu.wait_dma2 semaphore(%dma_wait3A_62 : memref<!tpu.dma_semaphore, #tpu.memory_space<semaphore_mem>>) src(%dma_wait3A_68 : memref<40x1024xf32, #tpu.memory_space<hbm>>) dst(%dma_wait3A_66 : memref<40x1024xf32, #tpu.memory_space<vmem_shared>>)
    %add3A_69 = arith.constant 40 : i32
    %add3A_70 = arith.addi %mul3A_2, %add3A_69 : i32
    %dma_start3A_71 = arith.constant 1 : i32
    %dma_start3A_72 = arith.constant 1 : i32
    %dma_start3A_73 = tpu.memref_slice %arg6[%dma_start3A_72] : memref<3x!tpu.dma_semaphore, #tpu.memory_space<semaphore_mem>> -> memref<1x!tpu.dma_semaphore, #tpu.memory_space<semaphore_mem>>
    %dma_start3A_74 = tpu.memref_squeeze %dma_start3A_73 : memref<1x!tpu.dma_semaphore, #tpu.memory_space<semaphore_mem>> -> memref<!tpu.dma_semaphore, #tpu.memory_space<semaphore_mem>>
    %dma_start3A_75 = arith.constant 0 : i32
    %dma_start3A_76 = tpu.memref_slice %arg3[%add3A_70, %dma_start3A_75] : memref<8192x1024xf32, #tpu.memory_space<hbm>> -> memref<40x1024xf32, #tpu.memory_space<hbm>>
    %dma_start3A_77 = arith.constant 0 : i32
    %dma_start3A_78 = arith.constant 0 : i32
    %dma_start3A_79 = tpu.memref_slice %arg4[%arg1, %dma_start3A_71, %dma_start3A_77, %dma_start3A_78] : memref<16x3x40x1024xf32, #tpu.memory_space<vmem_shared>> -> memref<1x1x40x1024xf32, #tpu.memory_space<vmem_shared>>
    %dma_start3A_80 = tpu.memref_squeeze %dma_start3A_79 : memref<1x1x40x1024xf32, #tpu.memory_space<vmem_shared>> -> memref<40x1024xf32, #tpu.memory_space<vmem_shared>>
    tpu.enqueue_dma source(%dma_start3A_80 : memref<40x1024xf32, #tpu.memory_space<vmem_shared>>) target(%dma_start3A_76 : memref<40x1024xf32, #tpu.memory_space<hbm>>) target_semaphore(%dma_start3A_74 : memref<!tpu.dma_semaphore, #tpu.memory_space<semaphore_mem>>)
    %dma_wait3A_81 = arith.constant 2 : i32
    %dma_wait3A_82 = arith.constant 2 : i32
    %dma_wait3A_83 = tpu.memref_slice %arg5[%dma_wait3A_82] : memref<3x!tpu.dma_semaphore, #tpu.memory_space<semaphore_mem>> -> memref<1x!tpu.dma_semaphore, #tpu.memory_space<semaphore_mem>>
    %dma_wait3A_84 = tpu.memref_squeeze %dma_wait3A_83 : memref<1x!tpu.dma_semaphore, #tpu.memory_space<semaphore_mem>> -> memref<!tpu.dma_semaphore, #tpu.memory_space<semaphore_mem>>
    %dma_wait3A_85 = arith.constant 0 : i32
    %dma_wait3A_86 = arith.constant 0 : i32
    %dma_wait3A_87 = tpu.memref_slice %arg4[%arg1, %dma_wait3A_81, %dma_wait3A_85, %dma_wait3A_86] : memref<16x3x40x1024xf32, #tpu.memory_space<vmem_shared>> -> memref<1x1x40x1024xf32, #tpu.memory_space<vmem_shared>>
    %dma_wait3A_88 = tpu.memref_squeeze %dma_wait3A_87 : memref<1x1x40x1024xf32, #tpu.memory_space<vmem_shared>> -> memref<40x1024xf32, #tpu.memory_space<vmem_shared>>
    %dma_wait3A_89 = arith.constant 0 : i32
    %dma_wait3A_90 = tpu.memref_slice %arg2[%add3A_27, %dma_wait3A_89] : memref<8192x1024xf32, #tpu.memory_space<hbm>> -> memref<40x1024xf32, #tpu.memory_space<hbm>>
    tpu.wait_dma2 semaphore(%dma_wait3A_84 : memref<!tpu.dma_semaphore, #tpu.memory_space<semaphore_mem>>) src(%dma_wait3A_90 : memref<40x1024xf32, #tpu.memory_space<hbm>>) dst(%dma_wait3A_88 : memref<40x1024xf32, #tpu.memory_space<vmem_shared>>)
    %add3A_91 = arith.constant 80 : i32
    %add3A_92 = arith.addi %mul3A_2, %add3A_91 : i32
    %dma_start3A_93 = arith.constant 2 : i32
    %dma_start3A_94 = arith.constant 2 : i32
    %dma_start3A_95 = tpu.memref_slice %arg6[%dma_start3A_94] : memref<3x!tpu.dma_semaphore, #tpu.memory_space<semaphore_mem>> -> memref<1x!tpu.dma_semaphore, #tpu.memory_space<semaphore_mem>>
    %dma_start3A_96 = tpu.memref_squeeze %dma_start3A_95 : memref<1x!tpu.dma_semaphore, #tpu.memory_space<semaphore_mem>> -> memref<!tpu.dma_semaphore, #tpu.memory_space<semaphore_mem>>
    %dma_start3A_97 = arith.constant 0 : i32
    %dma_start3A_98 = tpu.memref_slice %arg3[%add3A_92, %dma_start3A_97] : memref<8192x1024xf32, #tpu.memory_space<hbm>> -> memref<40x1024xf32, #tpu.memory_space<hbm>>
    %dma_start3A_99 = arith.constant 0 : i32
    %dma_start3A_100 = arith.constant 0 : i32
    %dma_start3A_101 = tpu.memref_slice %arg4[%arg1, %dma_start3A_93, %dma_start3A_99, %dma_start3A_100] : memref<16x3x40x1024xf32, #tpu.memory_space<vmem_shared>> -> memref<1x1x40x1024xf32, #tpu.memory_space<vmem_shared>>
    %dma_start3A_102 = tpu.memref_squeeze %dma_start3A_101 : memref<1x1x40x1024xf32, #tpu.memory_space<vmem_shared>> -> memref<40x1024xf32, #tpu.memory_space<vmem_shared>>
    tpu.enqueue_dma source(%dma_start3A_102 : memref<40x1024xf32, #tpu.memory_space<vmem_shared>>) target(%dma_start3A_98 : memref<40x1024xf32, #tpu.memory_space<hbm>>) target_semaphore(%dma_start3A_96 : memref<!tpu.dma_semaphore, #tpu.memory_space<semaphore_mem>>)
    %dma_wait3A_103 = arith.constant 0 : i32
    %dma_wait3A_104 = arith.constant 0 : i32
    %dma_wait3A_105 = tpu.memref_slice %arg6[%dma_wait3A_104] : memref<3x!tpu.dma_semaphore, #tpu.memory_space<semaphore_mem>> -> memref<1x!tpu.dma_semaphore, #tpu.memory_space<semaphore_mem>>
    %dma_wait3A_106 = tpu.memref_squeeze %dma_wait3A_105 : memref<1x!tpu.dma_semaphore, #tpu.memory_space<semaphore_mem>> -> memref<!tpu.dma_semaphore, #tpu.memory_space<semaphore_mem>>
    %dma_wait3A_107 = arith.constant 0 : i32
    %dma_wait3A_108 = tpu.memref_slice %arg3[%add3A_48, %dma_wait3A_107] : memref<8192x1024xf32, #tpu.memory_space<hbm>> -> memref<40x1024xf32, #tpu.memory_space<hbm>>
    %dma_wait3A_109 = arith.constant 0 : i32
    %dma_wait3A_110 = arith.constant 0 : i32
    %dma_wait3A_111 = tpu.memref_slice %arg4[%arg1, %dma_wait3A_103, %dma_wait3A_109, %dma_wait3A_110] : memref<16x3x40x1024xf32, #tpu.memory_space<vmem_shared>> -> memref<1x1x40x1024xf32, #tpu.memory_space<vmem_shared>>
    %dma_wait3A_112 = tpu.memref_squeeze %dma_wait3A_111 : memref<1x1x40x1024xf32, #tpu.memory_space<vmem_shared>> -> memref<40x1024xf32, #tpu.memory_space<vmem_shared>>
    tpu.wait_dma2 semaphore(%dma_wait3A_106 : memref<!tpu.dma_semaphore, #tpu.memory_space<semaphore_mem>>) src(%dma_wait3A_112 : memref<40x1024xf32, #tpu.memory_space<vmem_shared>>) dst(%dma_wait3A_108 : memref<40x1024xf32, #tpu.memory_space<hbm>>)
    %add3A_113 = arith.constant 120 : i32
    %add3A_114 = arith.addi %mul3A_2, %add3A_113 : i32
    %dma_start3A_115 = arith.constant 0 : i32
    %dma_start3A_116 = arith.constant 0 : i32
    %dma_start3A_117 = tpu.memref_slice %arg5[%dma_start3A_116] : memref<3x!tpu.dma_semaphore, #tpu.memory_space<semaphore_mem>> -> memref<1x!tpu.dma_semaphore, #tpu.memory_space<semaphore_mem>>
    %dma_start3A_118 = tpu.memref_squeeze %dma_start3A_117 : memref<1x!tpu.dma_semaphore, #tpu.memory_space<semaphore_mem>> -> memref<!tpu.dma_semaphore, #tpu.memory_space<semaphore_mem>>
    %dma_start3A_119 = arith.constant 0 : i32
    %dma_start3A_120 = arith.constant 0 : i32
    %dma_start3A_121 = tpu.memref_slice %arg4[%arg1, %dma_start3A_115, %dma_start3A_119, %dma_start3A_120] : memref<16x3x40x1024xf32, #tpu.memory_space<vmem_shared>> -> memref<1x1x40x1024xf32, #tpu.memory_space<vmem_shared>>
    %dma_start3A_122 = tpu.memref_squeeze %dma_start3A_121 : memref<1x1x40x1024xf32, #tpu.memory_space<vmem_shared>> -> memref<40x1024xf32, #tpu.memory_space<vmem_shared>>
    %dma_start3A_123 = arith.constant 0 : i32
    %dma_start3A_124 = tpu.memref_slice %arg2[%add3A_114, %dma_start3A_123] : memref<8192x1024xf32, #tpu.memory_space<hbm>> -> memref<40x1024xf32, #tpu.memory_space<hbm>>
    tpu.enqueue_dma source(%dma_start3A_124 : memref<40x1024xf32, #tpu.memory_space<hbm>>) target(%dma_start3A_122 : memref<40x1024xf32, #tpu.memory_space<vmem_shared>>) target_semaphore(%dma_start3A_118 : memref<!tpu.dma_semaphore, #tpu.memory_space<semaphore_mem>>)
    %dma_wait3A_125 = arith.constant 0 : i32
    %dma_wait3A_126 = arith.constant 0 : i32
    %dma_wait3A_127 = tpu.memref_slice %arg5[%dma_wait3A_126] : memref<3x!tpu.dma_semaphore, #tpu.memory_space<semaphore_mem>> -> memref<1x!tpu.dma_semaphore, #tpu.memory_space<semaphore_mem>>
    %dma_wait3A_128 = tpu.memref_squeeze %dma_wait3A_127 : memref<1x!tpu.dma_semaphore, #tpu.memory_space<semaphore_mem>> -> memref<!tpu.dma_semaphore, #tpu.memory_space<semaphore_mem>>
    %dma_wait3A_129 = arith.constant 0 : i32
    %dma_wait3A_130 = arith.constant 0 : i32
    %dma_wait3A_131 = tpu.memref_slice %arg4[%arg1, %dma_wait3A_125, %dma_wait3A_129, %dma_wait3A_130] : memref<16x3x40x1024xf32, #tpu.memory_space<vmem_shared>> -> memref<1x1x40x1024xf32, #tpu.memory_space<vmem_shared>>
    %dma_wait3A_132 = tpu.memref_squeeze %dma_wait3A_131 : memref<1x1x40x1024xf32, #tpu.memory_space<vmem_shared>> -> memref<40x1024xf32, #tpu.memory_space<vmem_shared>>
    %dma_wait3A_133 = arith.constant 0 : i32
    %dma_wait3A_134 = tpu.memref_slice %arg2[%add3A_114, %dma_wait3A_133] : memref<8192x1024xf32, #tpu.memory_space<hbm>> -> memref<40x1024xf32, #tpu.memory_space<hbm>>
    tpu.wait_dma2 semaphore(%dma_wait3A_128 : memref<!tpu.dma_semaphore, #tpu.memory_space<semaphore_mem>>) src(%dma_wait3A_134 : memref<40x1024xf32, #tpu.memory_space<hbm>>) dst(%dma_wait3A_132 : memref<40x1024xf32, #tpu.memory_space<vmem_shared>>)
    %add3A_135 = arith.constant 120 : i32
    %add3A_136 = arith.addi %mul3A_2, %add3A_135 : i32
    %dma_start3A_137 = arith.constant 0 : i32
    %dma_start3A_138 = arith.constant 0 : i32
    %dma_start3A_139 = tpu.memref_slice %arg6[%dma_start3A_138] : memref<3x!tpu.dma_semaphore, #tpu.memory_space<semaphore_mem>> -> memref<1x!tpu.dma_semaphore, #tpu.memory_space<semaphore_mem>>
    %dma_start3A_140 = tpu.memref_squeeze %dma_start3A_139 : memref<1x!tpu.dma_semaphore, #tpu.memory_space<semaphore_mem>> -> memref<!tpu.dma_semaphore, #tpu.memory_space<semaphore_mem>>
    %dma_start3A_141 = arith.constant 0 : i32
    %dma_start3A_142 = tpu.memref_slice %arg3[%add3A_136, %dma_start3A_141] : memref<8192x1024xf32, #tpu.memory_space<hbm>> -> memref<40x1024xf32, #tpu.memory_space<hbm>>
    %dma_start3A_143 = arith.constant 0 : i32
    %dma_start3A_144 = arith.constant 0 : i32
    %dma_start3A_145 = tpu.memref_slice %arg4[%arg1, %dma_start3A_137, %dma_start3A_143, %dma_start3A_144] : memref<16x3x40x1024xf32, #tpu.memory_space<vmem_shared>> -> memref<1x1x40x1024xf32, #tpu.memory_space<vmem_shared>>
    %dma_start3A_146 = tpu.memref_squeeze %dma_start3A_145 : memref<1x1x40x1024xf32, #tpu.memory_space<vmem_shared>> -> memref<40x1024xf32, #tpu.memory_space<vmem_shared>>
    tpu.enqueue_dma source(%dma_start3A_146 : memref<40x1024xf32, #tpu.memory_space<vmem_shared>>) target(%dma_start3A_142 : memref<40x1024xf32, #tpu.memory_space<hbm>>) target_semaphore(%dma_start3A_140 : memref<!tpu.dma_semaphore, #tpu.memory_space<semaphore_mem>>)
    %dma_wait3A_147 = arith.constant 1 : i32
    %dma_wait3A_148 = arith.constant 1 : i32
    %dma_wait3A_149 = tpu.memref_slice %arg6[%dma_wait3A_148] : memref<3x!tpu.dma_semaphore, #tpu.memory_space<semaphore_mem>> -> memref<1x!tpu.dma_semaphore, #tpu.memory_space<semaphore_mem>>
    %dma_wait3A_150 = tpu.memref_squeeze %dma_wait3A_149 : memref<1x!tpu.dma_semaphore, #tpu.memory_space<semaphore_mem>> -> memref<!tpu.dma_semaphore, #tpu.memory_space<semaphore_mem>>
    %dma_wait3A_151 = arith.constant 0 : i32
    %dma_wait3A_152 = tpu.memref_slice %arg3[%add3A_70, %dma_wait3A_151] : memref<8192x1024xf32, #tpu.memory_space<hbm>> -> memref<40x1024xf32, #tpu.memory_space<hbm>>
    %dma_wait3A_153 = arith.constant 0 : i32
    %dma_wait3A_154 = arith.constant 0 : i32
    %dma_wait3A_155 = tpu.memref_slice %arg4[%arg1, %dma_wait3A_147, %dma_wait3A_153, %dma_wait3A_154] : memref<16x3x40x1024xf32, #tpu.memory_space<vmem_shared>> -> memref<1x1x40x1024xf32, #tpu.memory_space<vmem_shared>>
    %dma_wait3A_156 = tpu.memref_squeeze %dma_wait3A_155 : memref<1x1x40x1024xf32, #tpu.memory_space<vmem_shared>> -> memref<40x1024xf32, #tpu.memory_space<vmem_shared>>
    tpu.wait_dma2 semaphore(%dma_wait3A_150 : memref<!tpu.dma_semaphore, #tpu.memory_space<semaphore_mem>>) src(%dma_wait3A_156 : memref<40x1024xf32, #tpu.memory_space<vmem_shared>>) dst(%dma_wait3A_152 : memref<40x1024xf32, #tpu.memory_space<hbm>>)
    %add3A_157 = arith.constant 160 : i32
    %add3A_158 = arith.addi %mul3A_2, %add3A_157 : i32
    %dma_start3A_159 = arith.constant 1 : i32
    %dma_start3A_160 = arith.constant 1 : i32
    %dma_start3A_161 = tpu.memref_slice %arg5[%dma_start3A_160] : memref<3x!tpu.dma_semaphore, #tpu.memory_space<semaphore_mem>> -> memref<1x!tpu.dma_semaphore, #tpu.memory_space<semaphore_mem>>
    %dma_start3A_162 = tpu.memref_squeeze %dma_start3A_161 : memref<1x!tpu.dma_semaphore, #tpu.memory_space<semaphore_mem>> -> memref<!tpu.dma_semaphore, #tpu.memory_space<semaphore_mem>>
    %dma_start3A_163 = arith.constant 0 : i32
    %dma_start3A_164 = arith.constant 0 : i32
    %dma_start3A_165 = tpu.memref_slice %arg4[%arg1, %dma_start3A_159, %dma_start3A_163, %dma_start3A_164] : memref<16x3x40x1024xf32, #tpu.memory_space<vmem_shared>> -> memref<1x1x40x1024xf32, #tpu.memory_space<vmem_shared>>
    %dma_start3A_166 = tpu.memref_squeeze %dma_start3A_165 : memref<1x1x40x1024xf32, #tpu.memory_space<vmem_shared>> -> memref<40x1024xf32, #tpu.memory_space<vmem_shared>>
    %dma_start3A_167 = arith.constant 0 : i32
    %dma_start3A_168 = tpu.memref_slice %arg2[%add3A_158, %dma_start3A_167] : memref<8192x1024xf32, #tpu.memory_space<hbm>> -> memref<40x1024xf32, #tpu.memory_space<hbm>>
    tpu.enqueue_dma source(%dma_start3A_168 : memref<40x1024xf32, #tpu.memory_space<hbm>>) target(%dma_start3A_166 : memref<40x1024xf32, #tpu.memory_space<vmem_shared>>) target_semaphore(%dma_start3A_162 : memref<!tpu.dma_semaphore, #tpu.memory_space<semaphore_mem>>)
    %dma_wait3A_169 = arith.constant 1 : i32
    %dma_wait3A_170 = arith.constant 1 : i32
    %dma_wait3A_171 = tpu.memref_slice %arg5[%dma_wait3A_170] : memref<3x!tpu.dma_semaphore, #tpu.memory_space<semaphore_mem>> -> memref<1x!tpu.dma_semaphore, #tpu.memory_space<semaphore_mem>>
    %dma_wait3A_172 = tpu.memref_squeeze %dma_wait3A_171 : memref<1x!tpu.dma_semaphore, #tpu.memory_space<semaphore_mem>> -> memref<!tpu.dma_semaphore, #tpu.memory_space<semaphore_mem>>
    %dma_wait3A_173 = arith.constant 0 : i32
    %dma_wait3A_174 = arith.constant 0 : i32
    %dma_wait3A_175 = tpu.memref_slice %arg4[%arg1, %dma_wait3A_169, %dma_wait3A_173, %dma_wait3A_174] : memref<16x3x40x1024xf32, #tpu.memory_space<vmem_shared>> -> memref<1x1x40x1024xf32, #tpu.memory_space<vmem_shared>>
    %dma_wait3A_176 = tpu.memref_squeeze %dma_wait3A_175 : memref<1x1x40x1024xf32, #tpu.memory_space<vmem_shared>> -> memref<40x1024xf32, #tpu.memory_space<vmem_shared>>
    %dma_wait3A_177 = arith.constant 0 : i32
    %dma_wait3A_178 = tpu.memref_slice %arg2[%add3A_158, %dma_wait3A_177] : memref<8192x1024xf32, #tpu.memory_space<hbm>> -> memref<40x1024xf32, #tpu.memory_space<hbm>>
    tpu.wait_dma2 semaphore(%dma_wait3A_172 : memref<!tpu.dma_semaphore, #tpu.memory_space<semaphore_mem>>) src(%dma_wait3A_178 : memref<40x1024xf32, #tpu.memory_space<hbm>>) dst(%dma_wait3A_176 : memref<40x1024xf32, #tpu.memory_space<vmem_shared>>)
    %add3A_179 = arith.constant 160 : i32
    %add3A_180 = arith.addi %mul3A_2, %add3A_179 : i32
    %dma_start3A_181 = arith.constant 1 : i32
    %dma_start3A_182 = arith.constant 1 : i32
    %dma_start3A_183 = tpu.memref_slice %arg6[%dma_start3A_182] : memref<3x!tpu.dma_semaphore, #tpu.memory_space<semaphore_mem>> -> memref<1x!tpu.dma_semaphore, #tpu.memory_space<semaphore_mem>>
    %dma_start3A_184 = tpu.memref_squeeze %dma_start3A_183 : memref<1x!tpu.dma_semaphore, #tpu.memory_space<semaphore_mem>> -> memref<!tpu.dma_semaphore, #tpu.memory_space<semaphore_mem>>
    %dma_start3A_185 = arith.constant 0 : i32
    %dma_start3A_186 = tpu.memref_slice %arg3[%add3A_180, %dma_start3A_185] : memref<8192x1024xf32, #tpu.memory_space<hbm>> -> memref<40x1024xf32, #tpu.memory_space<hbm>>
    %dma_start3A_187 = arith.constant 0 : i32
    %dma_start3A_188 = arith.constant 0 : i32
    %dma_start3A_189 = tpu.memref_slice %arg4[%arg1, %dma_start3A_181, %dma_start3A_187, %dma_start3A_188] : memref<16x3x40x1024xf32, #tpu.memory_space<vmem_shared>> -> memref<1x1x40x1024xf32, #tpu.memory_space<vmem_shared>>
    %dma_start3A_190 = tpu.memref_squeeze %dma_start3A_189 : memref<1x1x40x1024xf32, #tpu.memory_space<vmem_shared>> -> memref<40x1024xf32, #tpu.memory_space<vmem_shared>>
    tpu.enqueue_dma source(%dma_start3A_190 : memref<40x1024xf32, #tpu.memory_space<vmem_shared>>) target(%dma_start3A_186 : memref<40x1024xf32, #tpu.memory_space<hbm>>) target_semaphore(%dma_start3A_184 : memref<!tpu.dma_semaphore, #tpu.memory_space<semaphore_mem>>)
    %dma_wait3A_191 = arith.constant 2 : i32
    %dma_wait3A_192 = arith.constant 2 : i32
    %dma_wait3A_193 = tpu.memref_slice %arg6[%dma_wait3A_192] : memref<3x!tpu.dma_semaphore, #tpu.memory_space<semaphore_mem>> -> memref<1x!tpu.dma_semaphore, #tpu.memory_space<semaphore_mem>>
    %dma_wait3A_194 = tpu.memref_squeeze %dma_wait3A_193 : memref<1x!tpu.dma_semaphore, #tpu.memory_space<semaphore_mem>> -> memref<!tpu.dma_semaphore, #tpu.memory_space<semaphore_mem>>
    %dma_wait3A_195 = arith.constant 0 : i32
    %dma_wait3A_196 = tpu.memref_slice %arg3[%add3A_92, %dma_wait3A_195] : memref<8192x1024xf32, #tpu.memory_space<hbm>> -> memref<40x1024xf32, #tpu.memory_space<hbm>>
    %dma_wait3A_197 = arith.constant 0 : i32
    %dma_wait3A_198 = arith.constant 0 : i32
    %dma_wait3A_199 = tpu.memref_slice %arg4[%arg1, %dma_wait3A_191, %dma_wait3A_197, %dma_wait3A_198] : memref<16x3x40x1024xf32, #tpu.memory_space<vmem_shared>> -> memref<1x1x40x1024xf32, #tpu.memory_space<vmem_shared>>
    %dma_wait3A_200 = tpu.memref_squeeze %dma_wait3A_199 : memref<1x1x40x1024xf32, #tpu.memory_space<vmem_shared>> -> memref<40x1024xf32, #tpu.memory_space<vmem_shared>>
    tpu.wait_dma2 semaphore(%dma_wait3A_194 : memref<!tpu.dma_semaphore, #tpu.memory_space<semaphore_mem>>) src(%dma_wait3A_200 : memref<40x1024xf32, #tpu.memory_space<vmem_shared>>) dst(%dma_wait3A_196 : memref<40x1024xf32, #tpu.memory_space<hbm>>)
    %add3A_201 = arith.constant 200 : i32
    %add3A_202 = arith.addi %mul3A_2, %add3A_201 : i32
    %dma_start3A_203 = arith.constant 2 : i32
    %dma_start3A_204 = arith.constant 2 : i32
    %dma_start3A_205 = tpu.memref_slice %arg5[%dma_start3A_204] : memref<3x!tpu.dma_semaphore, #tpu.memory_space<semaphore_mem>> -> memref<1x!tpu.dma_semaphore, #tpu.memory_space<semaphore_mem>>
    %dma_start3A_206 = tpu.memref_squeeze %dma_start3A_205 : memref<1x!tpu.dma_semaphore, #tpu.memory_space<semaphore_mem>> -> memref<!tpu.dma_semaphore, #tpu.memory_space<semaphore_mem>>
    %dma_start3A_207 = arith.constant 0 : i32
    %dma_start3A_208 = arith.constant 0 : i32
    %dma_start3A_209 = tpu.memref_slice %arg4[%arg1, %dma_start3A_203, %dma_start3A_207, %dma_start3A_208] : memref<16x3x40x1024xf32, #tpu.memory_space<vmem_shared>> -> memref<1x1x40x1024xf32, #tpu.memory_space<vmem_shared>>
    %dma_start3A_210 = tpu.memref_squeeze %dma_start3A_209 : memref<1x1x40x1024xf32, #tpu.memory_space<vmem_shared>> -> memref<40x1024xf32, #tpu.memory_space<vmem_shared>>
    %dma_start3A_211 = arith.constant 0 : i32
    %dma_start3A_212 = tpu.memref_slice %arg2[%add3A_202, %dma_start3A_211] : memref<8192x1024xf32, #tpu.memory_space<hbm>> -> memref<40x1024xf32, #tpu.memory_space<hbm>>
    tpu.enqueue_dma source(%dma_start3A_212 : memref<40x1024xf32, #tpu.memory_space<hbm>>) target(%dma_start3A_210 : memref<40x1024xf32, #tpu.memory_space<vmem_shared>>) target_semaphore(%dma_start3A_206 : memref<!tpu.dma_semaphore, #tpu.memory_space<semaphore_mem>>)
    %dma_wait3A_213 = arith.constant 2 : i32
    %dma_wait3A_214 = arith.constant 2 : i32
    %dma_wait3A_215 = tpu.memref_slice %arg5[%dma_wait3A_214] : memref<3x!tpu.dma_semaphore, #tpu.memory_space<semaphore_mem>> -> memref<1x!tpu.dma_semaphore, #tpu.memory_space<semaphore_mem>>
    %dma_wait3A_216 = tpu.memref_squeeze %dma_wait3A_215 : memref<1x!tpu.dma_semaphore, #tpu.memory_space<semaphore_mem>> -> memref<!tpu.dma_semaphore, #tpu.memory_space<semaphore_mem>>
    %dma_wait3A_217 = arith.constant 0 : i32
    %dma_wait3A_218 = arith.constant 0 : i32
    %dma_wait3A_219 = tpu.memref_slice %arg4[%arg1, %dma_wait3A_213, %dma_wait3A_217, %dma_wait3A_218] : memref<16x3x40x1024xf32, #tpu.memory_space<vmem_shared>> -> memref<1x1x40x1024xf32, #tpu.memory_space<vmem_shared>>
    %dma_wait3A_220 = tpu.memref_squeeze %dma_wait3A_219 : memref<1x1x40x1024xf32, #tpu.memory_space<vmem_shared>> -> memref<40x1024xf32, #tpu.memory_space<vmem_shared>>
    %dma_wait3A_221 = arith.constant 0 : i32
    %dma_wait3A_222 = tpu.memref_slice %arg2[%add3A_202, %dma_wait3A_221] : memref<8192x1024xf32, #tpu.memory_space<hbm>> -> memref<40x1024xf32, #tpu.memory_space<hbm>>
    tpu.wait_dma2 semaphore(%dma_wait3A_216 : memref<!tpu.dma_semaphore, #tpu.memory_space<semaphore_mem>>) src(%dma_wait3A_222 : memref<40x1024xf32, #tpu.memory_space<hbm>>) dst(%dma_wait3A_220 : memref<40x1024xf32, #tpu.memory_space<vmem_shared>>)
    %add3A_223 = arith.constant 200 : i32
    %add3A_224 = arith.addi %mul3A_2, %add3A_223 : i32
    %dma_start3A_225 = arith.constant 2 : i32
    %dma_start3A_226 = arith.constant 2 : i32
    %dma_start3A_227 = tpu.memref_slice %arg6[%dma_start3A_226] : memref<3x!tpu.dma_semaphore, #tpu.memory_space<semaphore_mem>> -> memref<1x!tpu.dma_semaphore, #tpu.memory_space<semaphore_mem>>
    %dma_start3A_228 = tpu.memref_squeeze %dma_start3A_227 : memref<1x!tpu.dma_semaphore, #tpu.memory_space<semaphore_mem>> -> memref<!tpu.dma_semaphore, #tpu.memory_space<semaphore_mem>>
    %dma_start3A_229 = arith.constant 0 : i32
    %dma_start3A_230 = tpu.memref_slice %arg3[%add3A_224, %dma_start3A_229] : memref<8192x1024xf32, #tpu.memory_space<hbm>> -> memref<40x1024xf32, #tpu.memory_space<hbm>>
    %dma_start3A_231 = arith.constant 0 : i32
    %dma_start3A_232 = arith.constant 0 : i32
    %dma_start3A_233 = tpu.memref_slice %arg4[%arg1, %dma_start3A_225, %dma_start3A_231, %dma_start3A_232] : memref<16x3x40x1024xf32, #tpu.memory_space<vmem_shared>> -> memref<1x1x40x1024xf32, #tpu.memory_space<vmem_shared>>
    %dma_start3A_234 = tpu.memref_squeeze %dma_start3A_233 : memref<1x1x40x1024xf32, #tpu.memory_space<vmem_shared>> -> memref<40x1024xf32, #tpu.memory_space<vmem_shared>>
    tpu.enqueue_dma source(%dma_start3A_234 : memref<40x1024xf32, #tpu.memory_space<vmem_shared>>) target(%dma_start3A_230 : memref<40x1024xf32, #tpu.memory_space<hbm>>) target_semaphore(%dma_start3A_228 : memref<!tpu.dma_semaphore, #tpu.memory_space<semaphore_mem>>)
    %dma_wait3A_235 = arith.constant 0 : i32
    %dma_wait3A_236 = arith.constant 0 : i32
    %dma_wait3A_237 = tpu.memref_slice %arg6[%dma_wait3A_236] : memref<3x!tpu.dma_semaphore, #tpu.memory_space<semaphore_mem>> -> memref<1x!tpu.dma_semaphore, #tpu.memory_space<semaphore_mem>>
    %dma_wait3A_238 = tpu.memref_squeeze %dma_wait3A_237 : memref<1x!tpu.dma_semaphore, #tpu.memory_space<semaphore_mem>> -> memref<!tpu.dma_semaphore, #tpu.memory_space<semaphore_mem>>
    %dma_wait3A_239 = arith.constant 0 : i32
    %dma_wait3A_240 = tpu.memref_slice %arg3[%add3A_136, %dma_wait3A_239] : memref<8192x1024xf32, #tpu.memory_space<hbm>> -> memref<40x1024xf32, #tpu.memory_space<hbm>>
    %dma_wait3A_241 = arith.constant 0 : i32
    %dma_wait3A_242 = arith.constant 0 : i32
    %dma_wait3A_243 = tpu.memref_slice %arg4[%arg1, %dma_wait3A_235, %dma_wait3A_241, %dma_wait3A_242] : memref<16x3x40x1024xf32, #tpu.memory_space<vmem_shared>> -> memref<1x1x40x1024xf32, #tpu.memory_space<vmem_shared>>
    %dma_wait3A_244 = tpu.memref_squeeze %dma_wait3A_243 : memref<1x1x40x1024xf32, #tpu.memory_space<vmem_shared>> -> memref<40x1024xf32, #tpu.memory_space<vmem_shared>>
    tpu.wait_dma2 semaphore(%dma_wait3A_238 : memref<!tpu.dma_semaphore, #tpu.memory_space<semaphore_mem>>) src(%dma_wait3A_244 : memref<40x1024xf32, #tpu.memory_space<vmem_shared>>) dst(%dma_wait3A_240 : memref<40x1024xf32, #tpu.memory_space<hbm>>)
    %add3A_245 = arith.constant 240 : i32
    %add3A_246 = arith.addi %mul3A_2, %add3A_245 : i32
    %dma_start3A_247 = arith.constant 0 : i32
    %dma_start3A_248 = arith.constant 0 : i32
    %dma_start3A_249 = tpu.memref_slice %arg5[%dma_start3A_248] : memref<3x!tpu.dma_semaphore, #tpu.memory_space<semaphore_mem>> -> memref<1x!tpu.dma_semaphore, #tpu.memory_space<semaphore_mem>>
    %dma_start3A_250 = tpu.memref_squeeze %dma_start3A_249 : memref<1x!tpu.dma_semaphore, #tpu.memory_space<semaphore_mem>> -> memref<!tpu.dma_semaphore, #tpu.memory_space<semaphore_mem>>
    %dma_start3A_251 = arith.constant 0 : i32
    %dma_start3A_252 = arith.constant 0 : i32
    %dma_start3A_253 = tpu.memref_slice %arg4[%arg1, %dma_start3A_247, %dma_start3A_251, %dma_start3A_252] : memref<16x3x40x1024xf32, #tpu.memory_space<vmem_shared>> -> memref<1x1x16x1024xf32, #tpu.memory_space<vmem_shared>>
    %dma_start3A_254 = tpu.memref_squeeze %dma_start3A_253 : memref<1x1x16x1024xf32, #tpu.memory_space<vmem_shared>> -> memref<16x1024xf32, #tpu.memory_space<vmem_shared>>
    %dma_start3A_255 = arith.constant 0 : i32
    %dma_start3A_256 = tpu.memref_slice %arg2[%add3A_246, %dma_start3A_255] : memref<8192x1024xf32, #tpu.memory_space<hbm>> -> memref<16x1024xf32, #tpu.memory_space<hbm>>
    tpu.enqueue_dma source(%dma_start3A_256 : memref<16x1024xf32, #tpu.memory_space<hbm>>) target(%dma_start3A_254 : memref<16x1024xf32, #tpu.memory_space<vmem_shared>>) target_semaphore(%dma_start3A_250 : memref<!tpu.dma_semaphore, #tpu.memory_space<semaphore_mem>>)
    %dma_wait3A_257 = arith.constant 0 : i32
    %dma_wait3A_258 = arith.constant 0 : i32
    %dma_wait3A_259 = tpu.memref_slice %arg5[%dma_wait3A_258] : memref<3x!tpu.dma_semaphore, #tpu.memory_space<semaphore_mem>> -> memref<1x!tpu.dma_semaphore, #tpu.memory_space<semaphore_mem>>
    %dma_wait3A_260 = tpu.memref_squeeze %dma_wait3A_259 : memref<1x!tpu.dma_semaphore, #tpu.memory_space<semaphore_mem>> -> memref<!tpu.dma_semaphore, #tpu.memory_space<semaphore_mem>>
    %dma_wait3A_261 = arith.constant 0 : i32
    %dma_wait3A_262 = arith.constant 0 : i32
    %dma_wait3A_263 = tpu.memref_slice %arg4[%arg1, %dma_wait3A_257, %dma_wait3A_261, %dma_wait3A_262] : memref<16x3x40x1024xf32, #tpu.memory_space<vmem_shared>> -> memref<1x1x16x1024xf32, #tpu.memory_space<vmem_shared>>
    %dma_wait3A_264 = tpu.memref_squeeze %dma_wait3A_263 : memref<1x1x16x1024xf32, #tpu.memory_space<vmem_shared>> -> memref<16x1024xf32, #tpu.memory_space<vmem_shared>>
    %dma_wait3A_265 = arith.constant 0 : i32
    %dma_wait3A_266 = tpu.memref_slice %arg2[%add3A_246, %dma_wait3A_265] : memref<8192x1024xf32, #tpu.memory_space<hbm>> -> memref<16x1024xf32, #tpu.memory_space<hbm>>
    tpu.wait_dma2 semaphore(%dma_wait3A_260 : memref<!tpu.dma_semaphore, #tpu.memory_space<semaphore_mem>>) src(%dma_wait3A_266 : memref<16x1024xf32, #tpu.memory_space<hbm>>) dst(%dma_wait3A_264 : memref<16x1024xf32, #tpu.memory_space<vmem_shared>>)
    %add3A_267 = arith.constant 240 : i32
    %add3A_268 = arith.addi %mul3A_2, %add3A_267 : i32
    %dma_start3A_269 = arith.constant 0 : i32
    %dma_start3A_270 = arith.constant 0 : i32
    %dma_start3A_271 = tpu.memref_slice %arg6[%dma_start3A_270] : memref<3x!tpu.dma_semaphore, #tpu.memory_space<semaphore_mem>> -> memref<1x!tpu.dma_semaphore, #tpu.memory_space<semaphore_mem>>
    %dma_start3A_272 = tpu.memref_squeeze %dma_start3A_271 : memref<1x!tpu.dma_semaphore, #tpu.memory_space<semaphore_mem>> -> memref<!tpu.dma_semaphore, #tpu.memory_space<semaphore_mem>>
    %dma_start3A_273 = arith.constant 0 : i32
    %dma_start3A_274 = tpu.memref_slice %arg3[%add3A_268, %dma_start3A_273] : memref<8192x1024xf32, #tpu.memory_space<hbm>> -> memref<16x1024xf32, #tpu.memory_space<hbm>>
    %dma_start3A_275 = arith.constant 0 : i32
    %dma_start3A_276 = arith.constant 0 : i32
    %dma_start3A_277 = tpu.memref_slice %arg4[%arg1, %dma_start3A_269, %dma_start3A_275, %dma_start3A_276] : memref<16x3x40x1024xf32, #tpu.memory_space<vmem_shared>> -> memref<1x1x16x1024xf32, #tpu.memory_space<vmem_shared>>
    %dma_start3A_278 = tpu.memref_squeeze %dma_start3A_277 : memref<1x1x16x1024xf32, #tpu.memory_space<vmem_shared>> -> memref<16x1024xf32, #tpu.memory_space<vmem_shared>>
    tpu.enqueue_dma source(%dma_start3A_278 : memref<16x1024xf32, #tpu.memory_space<vmem_shared>>) target(%dma_start3A_274 : memref<16x1024xf32, #tpu.memory_space<hbm>>) target_semaphore(%dma_start3A_272 : memref<!tpu.dma_semaphore, #tpu.memory_space<semaphore_mem>>)
    %dma_wait3A_279 = arith.constant 1 : i32
    %dma_wait3A_280 = arith.constant 1 : i32
    %dma_wait3A_281 = tpu.memref_slice %arg6[%dma_wait3A_280] : memref<3x!tpu.dma_semaphore, #tpu.memory_space<semaphore_mem>> -> memref<1x!tpu.dma_semaphore, #tpu.memory_space<semaphore_mem>>
    %dma_wait3A_282 = tpu.memref_squeeze %dma_wait3A_281 : memref<1x!tpu.dma_semaphore, #tpu.memory_space<semaphore_mem>> -> memref<!tpu.dma_semaphore, #tpu.memory_space<semaphore_mem>>
    %dma_wait3A_283 = arith.constant 0 : i32
    %dma_wait3A_284 = tpu.memref_slice %arg3[%add3A_180, %dma_wait3A_283] : memref<8192x1024xf32, #tpu.memory_space<hbm>> -> memref<40x1024xf32, #tpu.memory_space<hbm>>
    %dma_wait3A_285 = arith.constant 0 : i32
    %dma_wait3A_286 = arith.constant 0 : i32
    %dma_wait3A_287 = tpu.memref_slice %arg4[%arg1, %dma_wait3A_279, %dma_wait3A_285, %dma_wait3A_286] : memref<16x3x40x1024xf32, #tpu.memory_space<vmem_shared>> -> memref<1x1x40x1024xf32, #tpu.memory_space<vmem_shared>>
    %dma_wait3A_288 = tpu.memref_squeeze %dma_wait3A_287 : memref<1x1x40x1024xf32, #tpu.memory_space<vmem_shared>> -> memref<40x1024xf32, #tpu.memory_space<vmem_shared>>
    tpu.wait_dma2 semaphore(%dma_wait3A_282 : memref<!tpu.dma_semaphore, #tpu.memory_space<semaphore_mem>>) src(%dma_wait3A_288 : memref<40x1024xf32, #tpu.memory_space<vmem_shared>>) dst(%dma_wait3A_284 : memref<40x1024xf32, #tpu.memory_space<hbm>>)
    %dma_wait3A_289 = arith.constant 2 : i32
    %dma_wait3A_290 = arith.constant 2 : i32
    %dma_wait3A_291 = tpu.memref_slice %arg6[%dma_wait3A_290] : memref<3x!tpu.dma_semaphore, #tpu.memory_space<semaphore_mem>> -> memref<1x!tpu.dma_semaphore, #tpu.memory_space<semaphore_mem>>
    %dma_wait3A_292 = tpu.memref_squeeze %dma_wait3A_291 : memref<1x!tpu.dma_semaphore, #tpu.memory_space<semaphore_mem>> -> memref<!tpu.dma_semaphore, #tpu.memory_space<semaphore_mem>>
    %dma_wait3A_293 = arith.constant 0 : i32
    %dma_wait3A_294 = tpu.memref_slice %arg3[%add3A_224, %dma_wait3A_293] : memref<8192x1024xf32, #tpu.memory_space<hbm>> -> memref<40x1024xf32, #tpu.memory_space<hbm>>
    %dma_wait3A_295 = arith.constant 0 : i32
    %dma_wait3A_296 = arith.constant 0 : i32
    %dma_wait3A_297 = tpu.memref_slice %arg4[%arg1, %dma_wait3A_289, %dma_wait3A_295, %dma_wait3A_296] : memref<16x3x40x1024xf32, #tpu.memory_space<vmem_shared>> -> memref<1x1x40x1024xf32, #tpu.memory_space<vmem_shared>>
    %dma_wait3A_298 = tpu.memref_squeeze %dma_wait3A_297 : memref<1x1x40x1024xf32, #tpu.memory_space<vmem_shared>> -> memref<40x1024xf32, #tpu.memory_space<vmem_shared>>
    tpu.wait_dma2 semaphore(%dma_wait3A_292 : memref<!tpu.dma_semaphore, #tpu.memory_space<semaphore_mem>>) src(%dma_wait3A_298 : memref<40x1024xf32, #tpu.memory_space<vmem_shared>>) dst(%dma_wait3A_294 : memref<40x1024xf32, #tpu.memory_space<hbm>>)
    %dma_wait3A_299 = arith.constant 0 : i32
    %dma_wait3A_300 = arith.constant 0 : i32
    %dma_wait3A_301 = tpu.memref_slice %arg6[%dma_wait3A_300] : memref<3x!tpu.dma_semaphore, #tpu.memory_space<semaphore_mem>> -> memref<1x!tpu.dma_semaphore, #tpu.memory_space<semaphore_mem>>
    %dma_wait3A_302 = tpu.memref_squeeze %dma_wait3A_301 : memref<1x!tpu.dma_semaphore, #tpu.memory_space<semaphore_mem>> -> memref<!tpu.dma_semaphore, #tpu.memory_space<semaphore_mem>>
    %dma_wait3A_303 = arith.constant 0 : i32
    %dma_wait3A_304 = tpu.memref_slice %arg3[%add3A_268, %dma_wait3A_303] : memref<8192x1024xf32, #tpu.memory_space<hbm>> -> memref<16x1024xf32, #tpu.memory_space<hbm>>
    %dma_wait3A_305 = arith.constant 0 : i32
    %dma_wait3A_306 = arith.constant 0 : i32
    %dma_wait3A_307 = tpu.memref_slice %arg4[%arg1, %dma_wait3A_299, %dma_wait3A_305, %dma_wait3A_306] : memref<16x3x40x1024xf32, #tpu.memory_space<vmem_shared>> -> memref<1x1x16x1024xf32, #tpu.memory_space<vmem_shared>>
    %dma_wait3A_308 = tpu.memref_squeeze %dma_wait3A_307 : memref<1x1x16x1024xf32, #tpu.memory_space<vmem_shared>> -> memref<16x1024xf32, #tpu.memory_space<vmem_shared>>
    tpu.wait_dma2 semaphore(%dma_wait3A_302 : memref<!tpu.dma_semaphore, #tpu.memory_space<semaphore_mem>>) src(%dma_wait3A_308 : memref<16x1024xf32, #tpu.memory_space<vmem_shared>>) dst(%dma_wait3A_304 : memref<16x1024xf32, #tpu.memory_space<hbm>>)
    return
  }
}

</mosaic_0001>

<sc_bundles>
// kernel: kernel.3.cloned.1.call-start
scs
__scs_entry_jumppad:
0x0: {  	(pc) =	sbr.rel $0x88, $3  }
0x1: {  	(tag) =	ssettag $0x0;
	lr =	simm.s32 $0x1  }
0x2: {  	[smem:$0x3FA0] =	sst lr;
	_ =	strace $0xD0000000  }
0x3: {  	_ = 	snop  }
0x4: {  	_ = 	snop  }
0x5: {  	_ = 	snop  }
0x6: {  	_ = 	snop  }
0x7: {  	_ = 	snop  }
__scs_overlays_trampoline_lowered:
0x8: {  	[smem:$0x3FAF] =	sst s0  }
0x9: {  	[smem:$0x3FB0] =	sst s1  }
0xa: {  	[smem:$0x3FB1] =	sst s2  }
0xb: {  	[smem:$0x3FB2] =	sst s3  }
0xc: {  	[smem:$0x3FB3] =	sst s4  }
0xd: {  	[smem:$0x3FB4] =	sst s5  }
0xe: {  	[smem:$0x3FB5] =	sst s6  }
0xf: {  	[smem:$0x3FB6] =	sst s7  }
0x10: {  	[smem:$0x3FB7] =	sst s8  }
0x11: {  	[smem:$0x3FB8] =	sst s9;
	s0 =	simm.s32 @!p0 $0x0  }
0x12: {  	s1 =	sld [smem:$0x3F9E];
	s0 =	simm.s32 @p0 $0x1  }
0x13: {  	[smem:$0x3FB9] =	sst s0;
	s0 =	simm.s32 @!p1 $0x0  }
0x14: {  	s2 =	sld [smem:$0x3F9D];
	s0 =	simm.s32 @p1 $0x1  }
0x15: {  	[smem:$0x3FBA] =	sst s0;
	s0 =	simm.s32 @!p2 $0x0  }
0x16: {  	s3 =	sld [smem:$0x3FDB];
	s0 =	simm.s32 @p2 $0x1  }
0x17: {  	s4 =	simm.s32 $0x1BF5;
	[smem:$0x3FBC] =	sst s0  }
0x18: {  	s0 =	sld [smem:$0x3F9F];
	_ =	swait.ge [sflag:s4], $0x0  }
0x19: {  	s7 =	sld [smem:$0x3FA0]  }
0x1a: {  	s8 =	sadd.s32 $0xFFFFE003, lr  }
0x1b: {  	s9 =	sadd.s32 $0xFFFFFEF7, lr;
	s5 =	simm.s32 $0xFFFFFFFF;
	p2 =	slt.u32 s8, $0xFFFFF086  }
0x1c: {  	p1 =	slt.u32 s9, $0xF7A;
	s5 =	simm.s32 @!p2 $0x0  }
0x1d: {  	s5 =	simm.s32 @p1 $0x1;
	p0 =	seq.s32 s7, s2  }
0x1e: {  	s7 =	smul.u32 @!p0 $0xF7A, s2;
	p2 =	seq.s32 @!p0 s5, $0x0  }
0x1f: {  	s9 =	smul.u32 $0xF7A, s1;
	s8 =	simm.s32 @!p0 $0x1BF5;
	p2 =	por !p2, p0  }
0x20: {  	[sflag:s8] =	ssyncset.s32 @!p0 $0xFFFFF086;
	s6 =	sadd.s32 @!p0 s3, s7;
	s7 =	simm.s32 @!p0 $0x108  }
0x21: {  	s3 =	sadd.s32 s3, s9;
	s6 =	sadd.s32 @!p0 $0x88, s6;
	s7 =	simm.s32 @p2 $0x1082  }
0x22: {  	[simem:s7], [sflag:s8] =	dma.local @!p0 [hbm:s6], $0xF7A  }
0x23: {  	s9 =	sor.u32 $0xD0000000, s2;
	s6 =	simm.s32 $0x108;
	_ =	swait.ge @!p0 [sflag:s8], $0x0  }
0x24: {  	s3 =	sadd.s32 $0x88, s3;
	s6 =	simm.s32 @!p1 $0x1082;
	[sflag:s4] =	ssyncset.s32 $0xFFFFF086  }
0x25: {  	[simem:s6], [sflag:s4] =	dma.local [hbm:s3], $0xF7A  }
0x26: {  	[smem:$0x3FA0] =	sst s1;
	(tag) =	ssettag s2;
	_ =	strace s9  }
0x27: {  	s1 =	sld [smem:$0x3FB0]  }
0x28: {  	s2 =	sld [smem:$0x3FB1]  }
0x29: {  	s4 =	sld [smem:$0x3FB3]  }
0x2a: {  	p0 =	seq.s32 s5, $0x0;
	s5 =	sld [smem:$0x3FB4]  }
0x2b: {  	s6 =	sld [smem:$0x3FB5]  }
0x2c: {  	s7 =	sld [smem:$0x3FB6]  }
0x2d: {  	s3 =	simm.s32 $0x108;
	s8 =	sld [smem:$0x3FB7]  }
0x2e: {  	s3 =	simm.s32 @!p0 $0x1082;
	s9 =	sld [smem:$0x3FB8]  }
0x2f: {  	lr =	sadd.s32 s0, s3;
	s0 =	sld [smem:$0x3FAF]  }
0x30: {  	s3 =	sld [smem:$0x3FB2]  }
0x31: {  	[smem:$0x3FBB] =	sst s10  }
0x32: {  	s10 =	sld [smem:$0x3FB9];
	_ =	sdelay $0x3  }
0x33: {  	p0 =	seq.s32 s10, $0x1;
	s10 =	sld [smem:$0x3FBB];
	_ =	sdelay $0x3  }
0x34: {  	[smem:$0x3FBB] =	sst s10  }
0x35: {  	s10 =	sld [smem:$0x3FBA];
	_ =	sdelay $0x3  }
0x36: {  	p1 =	seq.s32 s10, $0x1;
	s10 =	sld [smem:$0x3FBB];
	_ =	sdelay $0x3  }
0x37: {  	[smem:$0x3FBB] =	sst s10  }
0x38: {  	s10 =	sld [smem:$0x3FBC]  }
0x39: {  	_ = 	snop;
	(pc) =	sbr.ind lr, $3  }
0x3a: {  	_ = 	snop  }
0x3b: {  	_ = 	snop  }
0x3c: {  	p2 =	seq.s32 s10, $0x1;
	s10 =	sld [smem:$0x3FBB]  }
0x3d: {  	_ =	shalt  }
0x3e: {  	_ =	shalt  }
0x3f: {  	_ =	shalt  }
0x40: {  	_ =	shalt  }
0x41: {  	_ =	shalt  }
0x42: {  	_ =	shalt  }
0x43: {  	_ =	shalt  }
0x44: {  	_ =	shalt  }
0x45: {  	_ =	shalt  }
0x46: {  	_ =	shalt  }
0x47: {  	_ =	shalt  }
0x48: {  	_ =	shalt  }
0x49: {  	_ =	shalt  }
0x4a: {  	_ =	shalt  }
0x4b: {  	_ =	shalt  }
0x4c: {  	_ =	shalt  }
0x4d: {  	_ =	shalt  }
0x4e: {  	_ =	shalt  }
0x4f: {  	_ =	shalt  }
0x50: {  	_ =	shalt  }
0x51: {  	_ =	shalt  }
0x52: {  	_ =	shalt  }
0x53: {  	_ =	shalt  }
0x54: {  	_ =	shalt  }
0x55: {  	_ =	shalt  }
0x56: {  	_ =	shalt  }
0x57: {  	_ =	shalt  }
0x58: {  	_ =	shalt  }
0x59: {  	_ =	shalt  }
0x5a: {  	_ =	shalt  }
0x5b: {  	_ =	shalt  }
0x5c: {  	_ =	shalt  }
0x5d: {  	_ =	shalt  }
0x5e: {  	_ =	shalt  }
0x5f: {  	_ =	shalt  }
0x60: {  	_ =	shalt  }
0x61: {  	_ =	shalt  }
0x62: {  	_ =	shalt  }
0x63: {  	_ =	shalt  }
0x64: {  	_ =	shalt  }
0x65: {  	_ =	shalt  }
0x66: {  	_ =	shalt  }
0x67: {  	_ =	shalt  }
0x68: {  	_ =	shalt  }
0x69: {  	_ =	shalt  }
0x6a: {  	_ =	shalt  }
0x6b: {  	_ =	shalt  }
0x6c: {  	_ =	shalt  }
0x6d: {  	_ =	shalt  }
0x6e: {  	_ =	shalt  }
0x6f: {  	_ =	shalt  }
0x70: {  	_ =	shalt  }
0x71: {  	_ =	shalt  }
0x72: {  	_ =	shalt  }
0x73: {  	_ =	shalt  }
0x74: {  	_ =	shalt  }
0x75: {  	_ =	shalt  }
0x76: {  	_ =	shalt  }
0x77: {  	_ =	shalt  }
0x78: {  	_ =	shalt  }
0x79: {  	_ =	shalt  }
0x7a: {  	_ =	shalt  }
0x7b: {  	_ =	shalt  }
0x7c: {  	_ =	shalt  }
0x7d: {  	_ =	shalt  }
0x7e: {  	_ =	shalt  }
0x7f: {  	_ =	shalt  }
0x80: {  	_ =	shalt  }
0x81: {  	_ =	shalt  }
0x82: {  	_ =	shalt  }
0x83: {  	_ =	shalt  }
0x84: {  	_ =	shalt  }
0x85: {  	_ =	shalt  }
0x86: {  	_ =	shalt  }
0x87: {  	_ =	shalt  }
.Lfunc_end0:
.L_simem_size_0:
called_computation_lowered:
.L_overlay_start_0:
0x88: {  	s2 =	sld [smem:$0x3FD9]  }
0x89: {  	s3 =	sld [smem:$0x3FFE];
	_ =	sdelay $0x1  }
0x8a: {  	s1 =	srdreg.scid  }
0x8b: {  	s0 =	sand.u32 $0x1, s1  }
0x8c: {  	s18 =	sshll.u32 s0, $0xA;
	s2 =	sadd.s32 s3, s2  }
0x8d: {  	s2 =	sadd.s32 s2, s18  }
0x8e: {  	[smem:$0x3FC7] =	sst s2  }
0x8f: {  	_ = 	snop  }
0x90: {  	s2 =	sld [smem:$0x3FC9]  }
0x91: {  	s19 =	sld [smem:$0x3FD0];
	(tm) =	ssettm $0x1  }
0x92: {  	s4 =	sld [smem:$0x3FFB];
	_ =	sdelay $0x3  }
0x93: {  	_ =	strace s4  }
0x94: {  	s4 =	sld [smem:$0x3FFC];
	_ =	sdelay $0x3  }
0x95: {  	_ =	strace s4  }
0x96: {  	s4 =	sld [smem:$0x3FFD];
	_ =	sdelay $0x3  }
0x97: {  	_ =	strace s4  }
0x98: {  	_ =	strace $0x8FFFFFFF  }
0x99: {  	s20 =	sld [smem:$0x3FDB];
	_ =	sdelay $0x1  }
0x9a: {  	s5 =	simm.s32 $_scs_section_size  }
0x9b: {  	s6 =	simm.s32 $_size__tile_overlayer_lowered;
	s7 =	simm.s32 $_tile_overlayer_lowered  }
0x9c: {  	s23 =	simm.s32 $0x1BFF;
	s22 =	sshll.u32 s7, $0x1;
	s4 =	sadd.s32 s5, s20  }
0x9d: {  	s8 =	simm.s32 $0x0;
	s21 =	sshll.u32 s6, $0x1;
	s6 =	sadd.s32 s22, s4  }
0x9e: {  	[timem:s8], [sflag:s23] =	dma.local [hbm:s6], s21  }
0x9f: {  	_ =	swait.ge [sflag:s23], s21  }
0xa0: {  	s5 =	ssub.s32 $0x0, s21;
	[sflag:s23] =	ssyncset.done $0x0  }
0xa1: {  	[sflag:s23] =	ssyncadd.s32 s5;
	_ =	sdelay $0x1  }
0xa2: {  	s24 =	simm.s32 $0x1B8B  }
0xa3: {  	_ =	swait.ge [sflag:s24], $0x1  }
0xa4: {  	[sflag:s24] =	ssyncset.done $0x0  }
0xa5: {  	s25 =	simm.s32 $0x1B8E;
	[sflag:s24] =	ssyncadd.s32 $0xFFFFFFFF  }
0xa6: {  	s26 =	simm.s32 $execute0_lowered;
	[smem:$0x3FD2] =	sst s25  }
0xa7: {  	s5 =	sshll.u32 s26, $0x1;
	_ =	strace $0x80000046;
	[dreg:$0x1] =	wrdreg $0xFFFFFFFF  }
0xa8: {  	s28 =	simm.s32 $_size_execute0_lowered;
	s4 =	sadd.s32 s4, s5;
	[dreg:$0x0] =	wrdreg $0x0  }
0xa9: {  	s5 =	sshll.u32 s28, $0x1;
	[dreg:$0x2] =	wrdreg s4  }
0xaa: {  	[dreg:$0x3] =	wrdreg s5  }
0xab: {  	[dreg:$0x4] =	wrdreg $0xC0  }
0xac: {  	_ =	task [dreg:s8], $0x5FFFF  }
0xad: {  	[dreg:$0x1] =	wrdreg $0xFFFFFFFF  }
0xae: {  	[dreg:$0x0] =	wrdreg $0x60  }
0xaf: {  	[dreg:$0x2] =	wrdreg s2  }
0xb0: {  	[dreg:$0x3] =	wrdreg s19  }
0xb1: {  	[dreg:$0x4] =	wrdreg $0x0  }
0xb2: {  	[dreg:$0x5] =	wrdreg $0x9  }
0xb3: {  	_ =	task.clear_ibuf [dreg:s8], $0x6FFFF;
	_ =	strace $0x90000046  }
0xb4: {  	s29 =	simm.s32 $0x9;
	_ =	strace $0x80000048  }
0xb5: {  	_ =	swait.ge [sflag:s29], $0x1  }
0xb6: {  	[sflag:s29] =	ssyncadd.s32 $0xFFFFFFFF  }
0xb7: {  	_ =	strace $0x90000048  }
0xb8: {  	_ =	sfence  }
0xb9: {  	s30 =	sld [smem:$0x0];
	_ =	sdelay $0x2  }
0xba: {  	s31 =	sshll.u32 s1, $0xD;
	s1 =	sshrl.u32 s1, $0x2  }
0xbb: {  	s3 =	sand.u32 $0x4000, s31;
	s1 =	sadd.s32 s1, s30  }
0xbc: {  	s0 =	sor.u32 s3, s0;
	s1 =	sshll.u32 s1, $0x11  }
0xbd: {  	s0 =	sor.u32 s1, s0  }
0xbe: {  	s0 =	sadd.s32 $0x8F2B, s0  }
0xbf: {  	[sflag:s0] =	ssyncadd.remote.s32 $0x1  }
0xc0: {  	_ =	sfence.sel $0xFFFF  }
0xc1: {  	[dreg:$0x0] =	wrdreg $0xFFFFFFFF;
	(pc) =	sbr.abs _section_cstart, $3  }
0xc2: {  	[dreg:$0x1] =	wrdreg $0xFFFFFFFF  }
0xc3: {  	_ =	task.clear_ibuf [dreg:s8], $0x2FFFF;
	_ =	strace $0x9FFFFFFF  }
0xc4: {  	(tm) =	ssettm $0x7FFFFFFF  }
0xc5: {  	_ =	shalt  }
tec
execute0_lowered:
.L_overlay_start_1:
0x0: {  	(tag) =	ssettag $0x1  }
0x1: {  	s29 =	rddreg [dreg:$0x0]  }
0x2: {  	s30 =	rddreg [dreg:$0x1]  }
0x3: {  	s2 =	rddreg [dreg:$0x2]  }
0x4: {  	s0 =	srdreg.scid;
	s1 =	stileid.u32  }
0x5: {  	s3 =	simm.s32 $0x0;
	s7 =	simm.s32 $0x1;
	s31 =	sand.u32 $0x1, s0  }
0x6: {  	s4 =	smul.u32 $0x78000, s1;
	[smem:$0x7FF] =	sst s3;
	s23 =	sshll.u32 s1, $0x10  }
0x7: {  	s19 =	sshll.u32 s1, $0x6;
	s24 =	sshll.u32 s31, $0xF;
	_ =	strace $0x80000047  }
0x8: {  	s8 =	sor.u32 $0x1C03, s19;
	s0 =	sor.u32 s24, s23;
	s25 =	sshrl.u32 s4, $0x2  }
0x9: {  	s10 =	sor.u32 $0x1C02, s19;
	s9 =	sadd.s32 s25, s2;
	s26 =	sadd.s32 s29, s0  }
0xa: {  	s2 =	sor.u32 $0x1C01, s19;
	s14 =	sor.u32 $0x1400, s0;
	s17 =	sor.u32 $0x2800, s0  }
0xb: {  	[dreg:$0x4] =	wrdreg s26;
	s5 =	sadd.s32 $0xA000, s9;
	s3 =	sadd.s32 s29, s14  }
0xc: {  	s6 =	sadd.s32 $0x14000, s9;
	s4 =	sadd.s32 s29, s17;
	s9 =	sshrl.u32 s9, $0x3  }
0xd: {  	s11 =	rddreg [dreg:$0x4];
	s5 =	sshrl.u32 s5, $0x3;
	s6 =	sshrl.u32 s6, $0x3  }
0xe: {  	[spmem:s9], [sflag:s2] =	dma.local [hbm:s11], $0x1400  }
0xf: {  	[spmem:s5], [sflag:s10] =	dma.local [hbm:s3], $0x1400  }
0x10: {  	[spmem:s6], [sflag:s8] =	dma.local [hbm:s4], $0x1400  }
0x11: {  	_ =	swait.ge [sflag:s7], $0x1400  }
0x12: {  	s12 =	simm.s32 $0x2;
	[sflag:s7] =	ssyncset.done $0x0  }
0x13: {  	s13 =	sor.u32 $0x1C04, s19;
	s11 =	sadd.s32 s30, s0;
	[sflag:s7] =	ssyncadd.s32 $0xFFFFEC00  }
0x14: {  	[hbm:s11], [sflag:s13] =	dma.local [spmem:s9], $0x1400  }
0x15: {  	_ =	swait.ge [sflag:s12], $0x1400  }
0x16: {  	s15 =	simm.s32 $0x3;
	[sflag:s12] =	ssyncset.done $0x0  }
0x17: {  	s16 =	sor.u32 $0x1C05, s19;
	s14 =	sadd.s32 s30, s14;
	[sflag:s12] =	ssyncadd.s32 $0xFFFFEC00  }
0x18: {  	[hbm:s14], [sflag:s16] =	dma.local [spmem:s5], $0x1400  }
0x19: {  	_ =	swait.ge [sflag:s15], $0x1400  }
0x1a: {  	s19 =	sor.u32 $0x1C06, s19;
	[sflag:s15] =	ssyncset.done $0x0  }
0x1b: {  	s18 =	sadd.s32 s30, s17;
	s17 =	simm.s32 $0x4;
	[sflag:s15] =	ssyncadd.s32 $0xFFFFEC00  }
0x1c: {  	[hbm:s18], [sflag:s19] =	dma.local [spmem:s6], $0x1400  }
0x1d: {  	_ =	swait.ge [sflag:s17], $0x1400  }
0x1e: {  	s21 =	sor.u32 $0x3C00, s0;
	[sflag:s17] =	ssyncset.done $0x0  }
0x1f: {  	s20 =	sadd.s32 s29, s21;
	[sflag:s17] =	ssyncadd.s32 $0xFFFFEC00  }
0x20: {  	[spmem:s9], [sflag:s2] =	dma.local [hbm:s20], $0x1400  }
0x21: {  	_ =	swait.ge [sflag:s7], $0x1400  }
0x22: {  	[sflag:s7] =	ssyncset.done $0x0  }
0x23: {  	s22 =	simm.s32 $0x5;
	s21 =	sadd.s32 s30, s21;
	[sflag:s7] =	ssyncadd.s32 $0xFFFFEC00  }
0x24: {  	[hbm:s21], [sflag:s13] =	dma.local [spmem:s9], $0x1400  }
0x25: {  	_ =	swait.ge [sflag:s22], $0x1400  }
0x26: {  	s24 =	sor.u32 $0x5000, s0;
	[sflag:s22] =	ssyncset.done $0x0  }
0x27: {  	s23 =	sadd.s32 s29, s24;
	[sflag:s22] =	ssyncadd.s32 $0xFFFFEC00  }
0x28: {  	[spmem:s5], [sflag:s10] =	dma.local [hbm:s23], $0x1400  }
0x29: {  	_ =	swait.ge [sflag:s12], $0x1400  }
0x2a: {  	[sflag:s12] =	ssyncset.done $0x0  }
0x2b: {  	s25 =	simm.s32 $0x6;
	s24 =	sadd.s32 s30, s24;
	[sflag:s12] =	ssyncadd.s32 $0xFFFFEC00  }
0x2c: {  	[hbm:s24], [sflag:s16] =	dma.local [spmem:s5], $0x1400  }
0x2d: {  	_ =	swait.ge [sflag:s25], $0x1400  }
0x2e: {  	s28 =	sor.u32 $0x6400, s0;
	[sflag:s25] =	ssyncset.done $0x0  }
0x2f: {  	s26 =	sadd.s32 s29, s28;
	[sflag:s25] =	ssyncadd.s32 $0xFFFFEC00  }
0x30: {  	[spmem:s6], [sflag:s8] =	dma.local [hbm:s26], $0x1400  }
0x31: {  	_ =	swait.ge [sflag:s15], $0x1400  }
0x32: {  	[sflag:s15] =	ssyncset.done $0x0  }
0x33: {  	s28 =	sadd.s32 s30, s28;
	[sflag:s15] =	ssyncadd.s32 $0xFFFFEC00  }
0x34: {  	[hbm:s28], [sflag:s19] =	dma.local [spmem:s6], $0x1400  }
0x35: {  	_ =	swait.ge [sflag:s17], $0x1400  }
0x36: {  	s0 =	sor.u32 $0x7800, s0;
	[sflag:s17] =	ssyncset.done $0x0  }
0x37: {  	s29 =	sadd.s32 s29, s0;
	[sflag:s17] =	ssyncadd.s32 $0xFFFFEC00  }
0x38: {  	[spmem:s9], [sflag:s2] =	dma.local [hbm:s29], $0x800  }
0x39: {  	s30 =	sadd.s32 s30, s0;
	s0 =	ssub.s32 $0x2, s31;
	_ =	swait.ge [sflag:s7], $0x800  }
0x3a: {  	s31 =	sshrl.u32 s0, $0x1;
	[sflag:s7] =	ssyncset.done $0x0  }
0x3b: {  	s0 =	ssub.s32 s0, s31;
	[sflag:s7] =	ssyncadd.s32 $0xFFFFF800  }
0x3c: {  	[hbm:s30], [sflag:s13] =	dma.local [spmem:s9], $0x800  }
0x3d: {  	s0 =	smax.u32 s0, $0x1;
	_ =	swait.ge [sflag:s22], $0x1400  }
0x3e: {  	p0 =	sne.s32 s0, $0x1;
	[sflag:s22] =	ssyncset.done $0x0  }
.Ltmp0:
0x3f: {  	[sflag:s22] =	ssyncadd.s32 $0xFFFFEC00;
	(pc) =	sbr.rel @!p0 .LBB2_2-.Ltmp0, $4  }
0x40: {  	_ =	swait.ge [sflag:s25], $0x1400  }
0x41: {  	[sflag:s25] =	ssyncset.done $0x0  }
0x42: {  	[sflag:s25] =	ssyncadd.s32 $0xFFFFEC00  }
0x43: {  	s31 =	sadd.s32 $0xFFFFFFFF, s0;
	_ =	swait.ge [sflag:s17], $0x800  }
.LBB2_1:
0x44: {  	[sflag:s17] =	ssyncset.done $0x0  }
0x45: {  	s0 =	rddreg [dreg:$0x4];
	[sflag:s17] =	ssyncadd.s32 $0xFFFFF800  }
0x46: {  	[spmem:s9], [sflag:s2] =	dma.local [hbm:s0], $0x1400  }
0x47: {  	[spmem:s5], [sflag:s10] =	dma.local [hbm:s3], $0x1400  }
0x48: {  	[spmem:s6], [sflag:s8] =	dma.local [hbm:s4], $0x1400  }
0x49: {  	_ =	swait.ge [sflag:s7], $0x1400  }
0x4a: {  	[sflag:s7] =	ssyncset.done $0x0  }
0x4b: {  	[sflag:s7] =	ssyncadd.s32 $0xFFFFEC00  }
0x4c: {  	[hbm:s11], [sflag:s13] =	dma.local [spmem:s9], $0x1400  }
0x4d: {  	_ =	swait.ge [sflag:s12], $0x1400  }
0x4e: {  	[sflag:s12] =	ssyncset.done $0x0  }
0x4f: {  	[sflag:s12] =	ssyncadd.s32 $0xFFFFEC00  }
0x50: {  	[hbm:s14], [sflag:s16] =	dma.local [spmem:s5], $0x1400  }
0x51: {  	_ =	swait.ge [sflag:s15], $0x1400  }
0x52: {  	[sflag:s15] =	ssyncset.done $0x0  }
0x53: {  	[sflag:s15] =	ssyncadd.s32 $0xFFFFEC00  }
0x54: {  	[hbm:s18], [sflag:s19] =	dma.local [spmem:s6], $0x1400  }
0x55: {  	_ =	swait.ge [sflag:s17], $0x1400  }
0x56: {  	[sflag:s17] =	ssyncset.done $0x0  }
0x57: {  	[sflag:s17] =	ssyncadd.s32 $0xFFFFEC00  }
0x58: {  	[spmem:s9], [sflag:s2] =	dma.local [hbm:s20], $0x1400  }
0x59: {  	_ =	swait.ge [sflag:s7], $0x1400  }
0x5a: {  	[sflag:s7] =	ssyncset.done $0x0  }
0x5b: {  	[sflag:s7] =	ssyncadd.s32 $0xFFFFEC00  }
0x5c: {  	[hbm:s21], [sflag:s13] =	dma.local [spmem:s9], $0x1400  }
0x5d: {  	_ =	swait.ge [sflag:s22], $0x1400  }
0x5e: {  	[sflag:s22] =	ssyncset.done $0x0  }
0x5f: {  	[sflag:s22] =	ssyncadd.s32 $0xFFFFEC00  }
0x60: {  	[spmem:s5], [sflag:s10] =	dma.local [hbm:s23], $0x1400  }
0x61: {  	_ =	swait.ge [sflag:s12], $0x1400  }
0x62: {  	[sflag:s12] =	ssyncset.done $0x0  }
0x63: {  	[sflag:s12] =	ssyncadd.s32 $0xFFFFEC00  }
0x64: {  	[hbm:s24], [sflag:s16] =	dma.local [spmem:s5], $0x1400  }
0x65: {  	_ =	swait.ge [sflag:s25], $0x1400  }
0x66: {  	[sflag:s25] =	ssyncset.done $0x0  }
0x67: {  	[sflag:s25] =	ssyncadd.s32 $0xFFFFEC00  }
0x68: {  	[spmem:s6], [sflag:s8] =	dma.local [hbm:s26], $0x1400  }
0x69: {  	_ =	swait.ge [sflag:s15], $0x1400  }
0x6a: {  	[sflag:s15] =	ssyncset.done $0x0  }
0x6b: {  	[sflag:s15] =	ssyncadd.s32 $0xFFFFEC00  }
0x6c: {  	[hbm:s28], [sflag:s19] =	dma.local [spmem:s6], $0x1400  }
0x6d: {  	_ =	swait.ge [sflag:s17], $0x1400  }
0x6e: {  	[sflag:s17] =	ssyncset.done $0x0  }
0x6f: {  	[sflag:s17] =	ssyncadd.s32 $0xFFFFEC00  }
0x70: {  	[spmem:s9], [sflag:s2] =	dma.local [hbm:s29], $0x800  }
0x71: {  	_ =	swait.ge [sflag:s7], $0x800  }
0x72: {  	[sflag:s7] =	ssyncset.done $0x0  }
0x73: {  	[sflag:s7] =	ssyncadd.s32 $0xFFFFF800  }
0x74: {  	[hbm:s30], [sflag:s13] =	dma.local [spmem:s9], $0x800  }
0x75: {  	_ =	swait.ge [sflag:s22], $0x1400  }
0x76: {  	p0 =	sne.s32 s31, $0x1;
	[sflag:s22] =	ssyncset.done $0x0  }
.Ltmp1:
0x77: {  	[sflag:s22] =	ssyncadd.s32 $0xFFFFEC00;
	(pc) =	sbr.rel @p0 .LBB2_1-.Ltmp1, $4  }
0x78: {  	_ =	swait.ge [sflag:s25], $0x1400  }
0x79: {  	[sflag:s25] =	ssyncset.done $0x0  }
0x7a: {  	[sflag:s25] =	ssyncadd.s32 $0xFFFFEC00  }
0x7b: {  	s31 =	sadd.s32 $0xFFFFFFFF, s31;
	_ =	swait.ge [sflag:s17], $0x800  }
.LBB2_2:
0x7c: {  	[sflag:s17] =	ssyncset.done $0x0  }
0x7d: {  	[sflag:s17] =	ssyncadd.s32 $0xFFFFF800  }
0x7e: {  	_ =	sfence.sel $0x180000  }
0x7f: {  	[bflag:$0x0] =	sbarrier.arrive $0xFFFF  }
0x80: {  	_ =	strace $0x90000047  }
0x81: {  	[bflag:$0x2] =	sbarrier.arrive $0xFFFF  }
0x82: {  	p0 =	sne.s32 s1, $0x0;
	s0 =	rddreg [dreg:$0x3]  }
0x83: {  	s0 =	sadd.s32 @!p0 $0x100000, s0  }
0x84: {  	[sflag:s0] =	ssyncadd.tile.s32 @!p0 $0x1;
	_ =	shalt  }
.Lfunc_end2:
_tile_overlayer_lowered:
.L_overlay_start_2:
0x85: {  	(tag) =	ssettag $0x2  }
0x86: {  	s0 =	rddreg [dreg:$0x0];
	s2 =	stileid.u32  }
0x87: {  	s1 =	rddreg [dreg:$0x1];
	p0 =	sne.s32 s2, $0x0  }
0x88: {  	s3 =	rddreg [dreg:$0x2];
	[bflag:$0x3] =	sbarrier.arrive $0xFFFF;
	s2 =	simm.s32 @!p0 $0x1C07  }
0x89: {  	[timem:s3], [sflag:s2] =	dma.local @!p0 [hbm:s0], s1  }
0x8a: {  	s0 =	simm.s32 @!p0 $0x7  }
0x8b: {  	_ =	swait.ge @!p0 [sflag:s0], s1  }
0x8c: {  	s1 =	ssub.s32 @!p0 $0x0, s1;
	[sflag:s0] =	ssyncset.done @!p0 $0x0  }
0x8d: {  	[sflag:s0] =	ssyncadd.s32 @!p0 s1  }
0x8e: {  	[bflag:$0x3] =	sbarrier.arrive $0xFFFF  }
0x8f: {  	_ =	shalt  }

</sc_bundles>
